<compile_context>
chip_gen: v7x
topology: tpu7x:2x2x1
jax: 0.10.2.dev20260603
libtpu: 0.0.44.dev20260713+nightly
codegen_flags: <defaults>
</compile_context>

<pallas_src>
import functools

import jax
import jax.numpy as jnp
from jax import lax
from jax.experimental import pallas as pl
from jax.experimental.pallas import tpu as pltpu
from jax.experimental.pallas import tpu_sc as plsc

B = 8192
K = 8192
D = 256
BETA = 0.25

RBLK = 512
KBLK = 2048
NR = B // RBLK
NK = K // KBLK
LOSS_SCALE = (1.0 + BETA) / float(B * D)


_CB0 = 4096
_NCH = 2
_INF = float("inf")
_IMAX = 2**31 - 1


def _bf16_round(x):
    return x.astype(jnp.bfloat16).astype(jnp.float32)


_BPC = _CB0 // KBLK


def _argmin_body(zb_ref, cb_ref, zz_ref, cc_ref, ids_ref, loss_ref,
                 rv_ref, ri_ref, av_ref, af_ref, ai_ref):
    i = pl.program_id(0)
    j = pl.program_id(1)
    m = lax.dot_general(
        zb_ref[...], cb_ref[...], (((1,), (1,)), ((), ())),
        preferred_element_type=jnp.float32,
    )
    d = (zz_ref[...] - 2.0 * m) + cc_ref[...]
    bmin = jnp.min(d, axis=1, keepdims=True)
    col = lax.broadcasted_iota(jnp.int32, (RBLK, KBLK), 1) + j * KBLK
    bidx = jnp.min(jnp.where(d == bmin, col, _IMAX), axis=1, keepdims=True)

    @pl.when(j % _BPC == 0)
    def _():
        rv_ref[...] = bmin
        ri_ref[...] = bidx

    @pl.when(j % _BPC != 0)
    def _():
        u = bmin < rv_ref[...]
        ri_ref[...] = jnp.where(u, bidx, ri_ref[...])
        rv_ref[...] = jnp.where(u, bmin, rv_ref[...])

    @pl.when(j == _BPC - 1)
    def _():
        av_ref[...] = _bf16_round(rv_ref[...])
        af_ref[...] = rv_ref[...]
        ai_ref[...] = ri_ref[...]

    @pl.when(j == NK - 1)
    def _():
        u = rv_ref[...] < av_ref[...]
        acc_f = jnp.where(u, rv_ref[...], af_ref[...])
        ids_ref[...] = jnp.where(u, ri_ref[...], ai_ref[...])
        bs = jnp.sum(acc_f, keepdims=True)
        prev = jnp.where(i == 0, jnp.zeros_like(bs), loss_ref[...])
        tot = prev + bs
        loss_ref[...] = jnp.where(i == NR - 1, tot * LOSS_SCALE, tot)


def _nearest_ids(z_bf, c_bf, zz, cc):
    return pl.pallas_call(
        _argmin_body,
        grid=(NR, NK),
        in_specs=[
            pl.BlockSpec((RBLK, D), lambda i, j: (i, 0)),
            pl.BlockSpec((KBLK, D), lambda i, j: (j, 0)),
            pl.BlockSpec((RBLK, 1), lambda i, j: (i, 0)),
            pl.BlockSpec((1, KBLK), lambda i, j: (0, j)),
        ],
        out_specs=[
            pl.BlockSpec((RBLK, 1), lambda i, j: (i, 0)),
            pl.BlockSpec((1, 1), lambda i, j: (0, 0)),
        ],
        out_shape=[
            jax.ShapeDtypeStruct((B, 1), jnp.int32),
            jax.ShapeDtypeStruct((1, 1), jnp.float32),
        ],
        scratch_shapes=[
            pltpu.VMEM((RBLK, 1), jnp.float32),
            pltpu.VMEM((RBLK, 1), jnp.int32),
            pltpu.VMEM((RBLK, 1), jnp.float32),
            pltpu.VMEM((RBLK, 1), jnp.float32),
            pltpu.VMEM((RBLK, 1), jnp.int32),
        ],
    )(z_bf, c_bf, zz, cc)



_NC, _NS = 2, 16
_NW = _NC * _NS
_BPW = B // _NW
_CHUNK = 128
_NCHUNK = _BPW // _CHUNK


def _sc_gather(codebook, ids2d):
    mesh = plsc.VectorSubcoreMesh(core_axis_name="c", subcore_axis_name="s")

    @functools.partial(
        pl.kernel,
        mesh=mesh,
        out_type=jax.ShapeDtypeStruct((B, 1, D), jnp.float32),
        scratch_types=[
            pltpu.VMEM((_NCHUNK, _CHUNK), jnp.int32),
            pltpu.VMEM((_BPW, D), jnp.float32),
            pltpu.SemaphoreType.DMA,
        ],
    )
    def gk(table_hbm, idx_hbm, out_hbm, idx_v, rows_v, sem):
        wid = lax.axis_index("s") * _NC + lax.axis_index("c")
        base = wid * _BPW
        pltpu.sync_copy(idx_hbm.at[pl.ds(wid * _NCHUNK, _NCHUNK)], idx_v)
        cps = []
        for t in range(_NCHUNK):
            cps.append(pltpu.async_copy(
                table_hbm.at[idx_v.at[t]],
                rows_v.at[pl.ds(t * _CHUNK, _CHUNK)],
                sem,
            ))
        for cp in cps:
            cp.wait()
        pltpu.sync_copy(rows_v, out_hbm.at[pl.ds(base, _BPW), 0])

    return gk(codebook, ids2d)


def kernel(z, codebook):
    z_f = z.reshape(B, D)
    z_bf = z_f.astype(jnp.bfloat16)
    c_bf = codebook.astype(jnp.bfloat16)
    zz = jnp.sum(lax.optimization_barrier(z_f) ** 2, axis=1, keepdims=True)
    cc = jnp.sum(codebook ** 2, axis=1)[None, :]
    ids2, loss2 = _nearest_ids(z_bf, c_bf, zz, cc)
    ids = ids2.reshape(B)
    z_q = _sc_gather(codebook, ids2.reshape(B // _CHUNK, _CHUNK))
    loss = loss2.reshape(())
    return (z, z_q, ids, loss)

# --- scband reference (transcript-rebuilt; emitter-appended) ---
"""Pipeline reference for scband-quantization-14774687498745 (READ-ONLY COPY).

The authoritative reference and input builder live on the scoring server;
editing this copy changes nothing except your own understanding.
"""

import jax, jax.numpy as jnp
import numpy as np

BSZ = 8192
NUM_EMBED = 8192
LATENT_DIM = 256
BETA = 0.25


def setup_inputs(seed: int = 0) -> dict:
    key = jax.random.key(seed)
    k1, k2 = jax.random.split(key)
    z = jax.random.normal(k1, (BSZ, 1, LATENT_DIM), dtype=jnp.float32)
    codebook = jax.random.normal(k2, (NUM_EMBED, LATENT_DIM), dtype=jnp.float32)
    return {"z": z, "codebook": codebook}


def find_closest_tensor(z_f, codebook):
    # squared L2 distance: ||z||^2 - 2 z.c + ||c||^2, argmin over codes
    d = (
        jnp.sum(z_f ** 2, axis=1, keepdims=True)
        - 2.0 * (z_f @ codebook.T)
        + jnp.sum(codebook ** 2, axis=1)[None, :]
    )
    return jnp.argmin(d, axis=1)


def reference(z, codebook):
    # hard_quantize path (quantization_strategy == 'hard', quantize_latent=True)
    z_shape = z.shape
    z_f = z.reshape(-1, LATENT_DIM)
    min_embed_ids = find_closest_tensor(z_f, codebook)
    encodings = jax.nn.one_hot(min_embed_ids, NUM_EMBED, dtype=z.dtype)
    z_q = (encodings @ codebook).reshape(z_shape)
    # straight-through estimator
    z_q = z + jax.lax.stop_gradient(z_q - z)
    # partial_loss (calculate_loss=True)
    codebook_loss = (
        jnp.mean((jax.lax.stop_gradient(z_q) - z) ** 2)
        + jnp.mean((z_q - jax.lax.stop_gradient(z)) ** 2) * BETA
    )
    # forward returns (z, z_q); ret dict carries min_embed_ids and codebook_loss
    return (z, z_q, min_embed_ids, codebook_loss)

if __name__ == "__main__":
    import jax
    _d = setup_inputs()
    print(jax.jit(kernel)(*tuple(_d.values())))

</pallas_src>

<mosaic_0001>
#map = affine_map<(d0, d1) -> (0, 0)>
#map1 = affine_map<(d0, d1) -> (0, 0, 0)>
module attributes {stable_mosaic.version = 14 : i64} {
  func.func @gk(%arg0: i32, %arg1: i32, %arg2: memref<8192x256xf32, #tpu.memory_space<hbm>>, %arg3: memref<64x128xi32, #tpu.memory_space<hbm>>, %arg4: memref<8192x1x256xf32, #tpu.memory_space<hbm>>, %arg5: memref<2x128xi32, #tpu.memory_space<vmem>>, %arg6: memref<256x256xf32, #tpu.memory_space<vmem>>, %arg7: memref<!tpu.dma_semaphore, #tpu.memory_space<semaphore_mem>>) attributes {dimension_semantics = [#tpu.dimension_semantics<core_parallel>, #tpu.dimension_semantics<subcore_parallel>], iteration_bounds = array<i64: 2, 16>, scalar_prefetch = 0 : i64, scratch_operands = 3 : i64, tpu.core_type = #tpu.core_type<sc_vector_subcore>, window_params = [{transform_indices = #map}, {transform_indices = #map}, {transform_indices = #map1}]} {
    %mul3A = arith.constant 2 : i32
    %mul3A_0 = arith.muli %arg1, %mul3A : i32
    %add3A = arith.addi %mul3A_0, %arg0 : i32
    %mul3A_1 = arith.constant 256 : i32
    %mul3A_2 = arith.muli %add3A, %mul3A_1 : i32
    %mul3A_3 = arith.constant 2 : i32
    %mul3A_4 = arith.muli %add3A, %mul3A_3 : i32
    "tpu.region"() ({
      %run_scoped3A_43 = tpu.sem_alloc : memref<!tpu.dma_semaphore, #tpu.memory_space<semaphore_mem>>
      %dma_start3A_44 = arith.constant 0 : i32
      %dma_start3A_45 = tpu.memref_slice %arg3[%mul3A_4, %dma_start3A_44] : memref<64x128xi32, #tpu.memory_space<hbm>> -> memref<2x128xi32, #tpu.memory_space<hbm>>
      %dma_start3A_46 = arith.constant 0 : i32
      %dma_start3A_47 = tpu.memref_slice %arg3[%mul3A_4, %dma_start3A_46] : memref<64x128xi32, #tpu.memory_space<hbm>> -> memref<2x128xi32, #tpu.memory_space<hbm>>
      tpu.enqueue_dma source(%dma_start3A_47 : memref<2x128xi32, #tpu.memory_space<hbm>>) target(%arg5 : memref<2x128xi32, #tpu.memory_space<vmem>>) target_semaphore(%run_scoped3A_43 : memref<!tpu.dma_semaphore, #tpu.memory_space<semaphore_mem>>)
      %dma_wait3A_48 = arith.constant 0 : i32
      %dma_wait3A_49 = tpu.memref_slice %arg3[%mul3A_4, %dma_wait3A_48] : memref<64x128xi32, #tpu.memory_space<hbm>> -> memref<2x128xi32, #tpu.memory_space<hbm>>
      %dma_wait3A_50 = arith.constant 0 : i32
      %dma_wait3A_51 = tpu.memref_slice %arg3[%mul3A_4, %dma_wait3A_50] : memref<64x128xi32, #tpu.memory_space<hbm>> -> memref<2x128xi32, #tpu.memory_space<hbm>>
      tpu.wait_dma2 semaphore(%run_scoped3A_43 : memref<!tpu.dma_semaphore, #tpu.memory_space<semaphore_mem>>) src(%dma_wait3A_51 : memref<2x128xi32, #tpu.memory_space<hbm>>) dst(%arg5 : memref<2x128xi32, #tpu.memory_space<vmem>>)
      tpu.yield
    }) : () -> ()
    %dma_start3A = arith.constant 0 : i32
    %dma_start3A_5 = arith.constant 0 : i32
    %dma_start3A_6 = arith.constant 0 : i32
    %dma_start3A_7 = tpu.memref_slice %arg6[%dma_start3A_5, %dma_start3A_6] : memref<256x256xf32, #tpu.memory_space<vmem>> -> memref<128x256xf32, #tpu.memory_space<vmem>>
    %dma_start3A_8 = arith.constant 0 : i32
    %dma_start3A_9 = tpu.memref_slice %arg5[%dma_start3A, %dma_start3A_8] : memref<2x128xi32, #tpu.memory_space<vmem>> -> memref<1x128xi32, #tpu.memory_space<vmem>>
    %dma_start3A_10 = tpu.memref_squeeze %dma_start3A_9 : memref<1x128xi32, #tpu.memory_space<vmem>> -> memref<128xi32, #tpu.memory_space<vmem>>
    %dma_start3A_11 = arith.constant 0 : i32
    %dma_start3A_12 = arith.constant 0 : i32
    %dma_start3A_13 = tpu.memref_slice %arg2[%dma_start3A_11, %dma_start3A_12] : memref<8192x256xf32, #tpu.memory_space<hbm>> -> memref<8192x256xf32, #tpu.memory_space<hbm>>
    tpu.enqueue_indirect_dma source(%dma_start3A_13 : memref<8192x256xf32, #tpu.memory_space<hbm>>) target(%dma_start3A_7 : memref<128x256xf32, #tpu.memory_space<vmem>>) offsets(%dma_start3A_10 : memref<128xi32, #tpu.memory_space<vmem>>) semaphore(%arg7 : memref<!tpu.dma_semaphore, #tpu.memory_space<semaphore_mem>>)
    %dma_start3A_14 = arith.constant 1 : i32
    %dma_start3A_15 = arith.constant 128 : i32
    %dma_start3A_16 = arith.constant 0 : i32
    %dma_start3A_17 = tpu.memref_slice %arg6[%dma_start3A_15, %dma_start3A_16] : memref<256x256xf32, #tpu.memory_space<vmem>> -> memref<128x256xf32, #tpu.memory_space<vmem>>
    %dma_start3A_18 = arith.constant 0 : i32
    %dma_start3A_19 = tpu.memref_slice %arg5[%dma_start3A_14, %dma_start3A_18] : memref<2x128xi32, #tpu.memory_space<vmem>> -> memref<1x128xi32, #tpu.memory_space<vmem>>
    %dma_start3A_20 = tpu.memref_squeeze %dma_start3A_19 : memref<1x128xi32, #tpu.memory_space<vmem>> -> memref<128xi32, #tpu.memory_space<vmem>>
    %dma_start3A_21 = arith.constant 0 : i32
    %dma_start3A_22 = arith.constant 0 : i32
    %dma_start3A_23 = tpu.memref_slice %arg2[%dma_start3A_21, %dma_start3A_22] : memref<8192x256xf32, #tpu.memory_space<hbm>> -> memref<8192x256xf32, #tpu.memory_space<hbm>>
    tpu.enqueue_indirect_dma source(%dma_start3A_23 : memref<8192x256xf32, #tpu.memory_space<hbm>>) target(%dma_start3A_17 : memref<128x256xf32, #tpu.memory_space<vmem>>) offsets(%dma_start3A_20 : memref<128xi32, #tpu.memory_space<vmem>>) semaphore(%arg7 : memref<!tpu.dma_semaphore, #tpu.memory_space<semaphore_mem>>)
    %dma_wait3A = arith.constant 0 : i32
    %dma_wait3A_24 = arith.constant 0 : i32
    %dma_wait3A_25 = arith.constant 0 : i32
    %dma_wait3A_26 = tpu.memref_slice %arg6[%dma_wait3A_24, %dma_wait3A_25] : memref<256x256xf32, #tpu.memory_space<vmem>> -> memref<128x256xf32, #tpu.memory_space<vmem>>
    %dma_wait3A_27 = arith.constant 0 : i32
    %dma_wait3A_28 = tpu.memref_slice %arg5[%dma_wait3A, %dma_wait3A_27] : memref<2x128xi32, #tpu.memory_space<vmem>> -> memref<1x128xi32, #tpu.memory_space<vmem>>
    %dma_wait3A_29 = tpu.memref_squeeze %dma_wait3A_28 : memref<1x128xi32, #tpu.memory_space<vmem>> -> memref<128xi32, #tpu.memory_space<vmem>>
    %dma_wait3A_30 = arith.constant 0 : i32
    %dma_wait3A_31 = arith.constant 0 : i32
    %dma_wait3A_32 = tpu.memref_slice %arg2[%dma_wait3A_30, %dma_wait3A_31] : memref<8192x256xf32, #tpu.memory_space<hbm>> -> memref<8192x256xf32, #tpu.memory_space<hbm>>
    tpu.wait_indirect_dma semaphore(%arg7 : memref<!tpu.dma_semaphore, #tpu.memory_space<semaphore_mem>>) src(%dma_wait3A_32 : memref<8192x256xf32, #tpu.memory_space<hbm>>) dst(%dma_wait3A_26 : memref<128x256xf32, #tpu.memory_space<vmem>>)
    %dma_wait3A_33 = arith.constant 1 : i32
    %dma_wait3A_34 = arith.constant 128 : i32
    %dma_wait3A_35 = arith.constant 0 : i32
    %dma_wait3A_36 = tpu.memref_slice %arg6[%dma_wait3A_34, %dma_wait3A_35] : memref<256x256xf32, #tpu.memory_space<vmem>> -> memref<128x256xf32, #tpu.memory_space<vmem>>
    %dma_wait3A_37 = arith.constant 0 : i32
    %dma_wait3A_38 = tpu.memref_slice %arg5[%dma_wait3A_33, %dma_wait3A_37] : memref<2x128xi32, #tpu.memory_space<vmem>> -> memref<1x128xi32, #tpu.memory_space<vmem>>
    %dma_wait3A_39 = tpu.memref_squeeze %dma_wait3A_38 : memref<1x128xi32, #tpu.memory_space<vmem>> -> memref<128xi32, #tpu.memory_space<vmem>>
    %dma_wait3A_40 = arith.constant 0 : i32
    %dma_wait3A_41 = arith.constant 0 : i32
    %dma_wait3A_42 = tpu.memref_slice %arg2[%dma_wait3A_40, %dma_wait3A_41] : memref<8192x256xf32, #tpu.memory_space<hbm>> -> memref<8192x256xf32, #tpu.memory_space<hbm>>
    tpu.wait_indirect_dma semaphore(%arg7 : memref<!tpu.dma_semaphore, #tpu.memory_space<semaphore_mem>>) src(%dma_wait3A_42 : memref<8192x256xf32, #tpu.memory_space<hbm>>) dst(%dma_wait3A_36 : memref<128x256xf32, #tpu.memory_space<vmem>>)
    %run_scoped3A = arith.constant 0 : i32
    "tpu.region"() ({
      %run_scoped3A_43 = tpu.sem_alloc : memref<!tpu.dma_semaphore, #tpu.memory_space<semaphore_mem>>
      %dma_start3A_44 = arith.constant 0 : i32
      %dma_start3A_45 = tpu.memref_slice %arg4[%mul3A_2, %run_scoped3A, %dma_start3A_44] : memref<8192x1x256xf32, #tpu.memory_space<hbm>> -> memref<256x1x256xf32, #tpu.memory_space<hbm>>
      %dma_start3A_46 = tpu.memref_squeeze %dma_start3A_45 : memref<256x1x256xf32, #tpu.memory_space<hbm>> -> memref<256x256xf32, #tpu.memory_space<hbm>>
      %dma_start3A_47 = arith.constant 0 : i32
      %dma_start3A_48 = tpu.memref_slice %arg4[%mul3A_2, %run_scoped3A, %dma_start3A_47] : memref<8192x1x256xf32, #tpu.memory_space<hbm>> -> memref<256x1x256xf32, #tpu.memory_space<hbm>>
      %dma_start3A_49 = tpu.memref_squeeze %dma_start3A_48 : memref<256x1x256xf32, #tpu.memory_space<hbm>> -> memref<256x256xf32, #tpu.memory_space<hbm>>
      tpu.enqueue_dma source(%arg6 : memref<256x256xf32, #tpu.memory_space<vmem>>) target(%dma_start3A_49 : memref<256x256xf32, #tpu.memory_space<hbm>>) target_semaphore(%run_scoped3A_43 : memref<!tpu.dma_semaphore, #tpu.memory_space<semaphore_mem>>)
      %dma_wait3A_50 = arith.constant 0 : i32
      %dma_wait3A_51 = tpu.memref_slice %arg4[%mul3A_2, %run_scoped3A, %dma_wait3A_50] : memref<8192x1x256xf32, #tpu.memory_space<hbm>> -> memref<256x1x256xf32, #tpu.memory_space<hbm>>
      %dma_wait3A_52 = tpu.memref_squeeze %dma_wait3A_51 : memref<256x1x256xf32, #tpu.memory_space<hbm>> -> memref<256x256xf32, #tpu.memory_space<hbm>>
      %dma_wait3A_53 = arith.constant 0 : i32
      %dma_wait3A_54 = tpu.memref_slice %arg4[%mul3A_2, %run_scoped3A, %dma_wait3A_53] : memref<8192x1x256xf32, #tpu.memory_space<hbm>> -> memref<256x1x256xf32, #tpu.memory_space<hbm>>
      %dma_wait3A_55 = tpu.memref_squeeze %dma_wait3A_54 : memref<256x1x256xf32, #tpu.memory_space<hbm>> -> memref<256x256xf32, #tpu.memory_space<hbm>>
      tpu.wait_dma2 semaphore(%run_scoped3A_43 : memref<!tpu.dma_semaphore, #tpu.memory_space<semaphore_mem>>) src(%arg6 : memref<256x256xf32, #tpu.memory_space<vmem>>) dst(%dma_wait3A_55 : memref<256x256xf32, #tpu.memory_space<hbm>>)
      tpu.yield
    }) : () -> ()
    return
  }
}

module attributes {stable_mosaic.version = 14 : i64} {
  func.func @_argmin_body(%arg0: i32, %arg1: i32, %arg2: memref<512x256xbf16, #tpu.memory_space<vmem>>, %arg3: memref<2048x256xbf16, #tpu.memory_space<vmem>>, %arg4: memref<512x1xf32, #tpu.memory_space<vmem>>, %arg5: memref<1x2048xf32, #tpu.memory_space<vmem>>, %arg6: memref<512x1xi32, #tpu.memory_space<vmem>>, %arg7: memref<1x1xf32, #tpu.memory_space<vmem>>, %arg8: memref<512x1xf32, #tpu.memory_space<vmem>>, %arg9: memref<512x1xi32, #tpu.memory_space<vmem>>, %arg10: memref<512x1xf32, #tpu.memory_space<vmem>>, %arg11: memref<512x1xf32, #tpu.memory_space<vmem>>, %arg12: memref<512x1xi32, #tpu.memory_space<vmem>>) attributes {dimension_semantics = [#tpu.dimension_semantics<arbitrary>, #tpu.dimension_semantics<arbitrary>], iteration_bounds = array<i64: 16, 4>, scalar_prefetch = 0 : i64, scratch_operands = 5 : i64, tpu.core_type = #tpu.core_type<tc>, window_params = [{transform_indices = @transform_0, window_bounds = array<i64: 512, 256>}, {transform_indices = @transform_1, window_bounds = array<i64: 2048, 256>}, {transform_indices = @transform_2, window_bounds = array<i64: 512, 1>}, {transform_indices = @transform_3, window_bounds = array<i64: 1, 2048>}, {transform_indices = @transform_4, window_bounds = array<i64: 512, 1>}, {pipeline_mode = #tpu.pipeline_mode<synchronous>, transform_indices = @transform_5, window_bounds = array<i64: 1, 1>}]} {
    %get3A = arith.constant 0 : index
    %get3A_0 = arith.constant 0 : index
    %get3A_1 = vector.load %arg2[%get3A, %get3A_0] : memref<512x256xbf16, #tpu.memory_space<vmem>>, vector<512x256xbf16>
    %get3A_2 = arith.constant 0 : index
    %get3A_3 = arith.constant 0 : index
    %get3A_4 = vector.load %arg3[%get3A_2, %get3A_3] : memref<2048x256xbf16, #tpu.memory_space<vmem>>, vector<2048x256xbf16>
    %dot_general3A = arith.constant dense<0.000000e+00> : vector<512x2048xf32>
    %dot_general3A_5 = tpu.matmul %get3A_1, %get3A_4, %dot_general3A {dimension_numbers = #tpu.dot_dimension_numbers<[1], [1], [0], [0], [0, 0, 1, 0], [], []>, transpose_lhs_hint = false} : vector<512x256xbf16>, vector<2048x256xbf16>, vector<512x2048xf32> -> vector<512x2048xf32>
    %get3A_6 = arith.constant 0 : index
    %get3A_7 = arith.constant 0 : index
    %get3A_8 = vector.load %arg4[%get3A_6, %get3A_7] : memref<512x1xf32, #tpu.memory_space<vmem>>, vector<512x1xf32>
    %mul3A = arith.constant 2.000000e+00 : f32
    %mul3A_9 = vector.broadcast %mul3A : f32 to vector<512x2048xf32>
    %mul3A_10 = arith.mulf %mul3A_9, %dot_general3A_5 : vector<512x2048xf32>
    %sub3A = vector.broadcast %get3A_8 : vector<512x1xf32> to vector<512x2048xf32>
    %sub3A_11 = arith.subf %sub3A, %mul3A_10 : vector<512x2048xf32>
    %get3A_12 = arith.constant 0 : index
    %get3A_13 = arith.constant 0 : index
    %get3A_14 = vector.load %arg5[%get3A_12, %get3A_13] : memref<1x2048xf32, #tpu.memory_space<vmem>>, vector<1x2048xf32>
    %add3A = vector.broadcast %get3A_14 : vector<1x2048xf32> to vector<512x2048xf32>
    %add3A_15 = arith.addf %sub3A_11, %add3A : vector<512x2048xf32>
    %reduce_min3A = arith.constant dense<0x7F800000> : vector<512xf32>
    %reduce_min3A_16 = vector.multi_reduction <minimumf>, %add3A_15, %reduce_min3A [1] : vector<512x2048xf32> to vector<512xf32>
    %broadcast_in_dim3A = vector.shape_cast %reduce_min3A_16 : vector<512xf32> to vector<512x1xf32>
    %iota3A = tpu.iota {dimensions = array<i32: 1>} : vector<512x2048xi32>
    %mul3A_17 = arith.constant 2048 : i32
    %mul3A_18 = arith.muli %arg1, %mul3A_17 : i32
    %add3A_19 = vector.broadcast %mul3A_18 : i32 to vector<512x2048xi32>
    %add3A_20 = arith.addi %iota3A, %add3A_19 : vector<512x2048xi32>
    %eq3A = vector.broadcast %broadcast_in_dim3A : vector<512x1xf32> to vector<512x2048xf32>
    %eq3A_21 = arith.cmpf oeq, %add3A_15, %eq3A : vector<512x2048xf32>
    %jit3A = arith.constant 2147483647 : i32
    %broadcast_in_dim3A_22 = vector.broadcast %jit3A : i32 to vector<512x2048xi32>
    %select_n3A = arith.select %eq3A_21, %add3A_20, %broadcast_in_dim3A_22 : vector<512x2048xi1>, vector<512x2048xi32>
    %reduce_min3A_23 = arith.constant dense<2147483647> : vector<512xi32>
    %reduce_min3A_24 = vector.multi_reduction <minsi>, %select_n3A, %reduce_min3A_23 [1] : vector<512x2048xi32> to vector<512xi32>
    %broadcast_in_dim3A_25 = vector.shape_cast %reduce_min3A_24 : vector<512xi32> to vector<512x1xi32>
    %jit3A_26 = arith.constant 2 : i32
    %eq3A_27 = arith.constant 0 : i32
    %eq3A_28 = arith.cmpi eq, %jit3A_26, %eq3A_27 : i32
    %jit3A_29 = arith.constant 1 : i32
    %select_n3A_30 = arith.select %eq3A_28, %jit3A_29, %jit3A_26 : i32
    %rem3A = arith.remsi %arg1, %select_n3A_30 : i32
    %ne3A = arith.constant 0 : i32
    %ne3A_31 = arith.cmpi ne, %rem3A, %ne3A : i32
    %lt3A = arith.constant 0 : i32
    %lt3A_32 = arith.cmpi slt, %rem3A, %lt3A : i32
    %lt3A_33 = arith.constant 0 : i32
    %lt3A_34 = arith.cmpi slt, %select_n3A_30, %lt3A_33 : i32
    %ne3A_35 = arith.xori %lt3A_32, %lt3A_34 : i1
    %and3A = arith.andi %ne3A_35, %ne3A_31 : i1
    %add3A_36 = arith.addi %rem3A, %select_n3A_30 : i32
    %select_n3A_37 = arith.select %and3A, %add3A_36, %rem3A : i32
    %eq3A_38 = arith.constant 0 : i32
    %eq3A_39 = arith.cmpi eq, %select_n3A_37, %eq3A_38 : i32
    %convert_element_type3A = arith.extui %eq3A_39 : i1 to i32
    %cond3A = arith.constant 0 : i32
    %cond3A_40 = arith.cmpi ne, %convert_element_type3A, %cond3A : i32
    scf.if %cond3A_40 {
      %swap3A = arith.constant 0 : index
      %swap3A_72 = arith.constant 0 : index
      %swap3A_73 = vector.load %arg8[%swap3A, %swap3A_72] : memref<512x1xf32, #tpu.memory_space<vmem>>, vector<512x1xf32>
      tpu.vector_store %arg8[%swap3A, %swap3A_72], %broadcast_in_dim3A {strides = array<i32>} : memref<512x1xf32, #tpu.memory_space<vmem>>, vector<512x1xf32>,
      %swap3A_74 = arith.constant 0 : index
      %swap3A_75 = arith.constant 0 : index
      %swap3A_76 = vector.load %arg9[%swap3A_74, %swap3A_75] : memref<512x1xi32, #tpu.memory_space<vmem>>, vector<512x1xi32>
      tpu.vector_store %arg9[%swap3A_74, %swap3A_75], %broadcast_in_dim3A_25 {strides = array<i32>} : memref<512x1xi32, #tpu.memory_space<vmem>>, vector<512x1xi32>,
    } else {
    }
    %jit3A_41 = arith.constant 2 : i32
    %eq3A_42 = arith.constant 0 : i32
    %eq3A_43 = arith.cmpi eq, %jit3A_41, %eq3A_42 : i32
    %jit3A_44 = arith.constant 1 : i32
    %select_n3A_45 = arith.select %eq3A_43, %jit3A_44, %jit3A_41 : i32
    %rem3A_46 = arith.remsi %arg1, %select_n3A_45 : i32
    %ne3A_47 = arith.constant 0 : i32
    %ne3A_48 = arith.cmpi ne, %rem3A_46, %ne3A_47 : i32
    %lt3A_49 = arith.constant 0 : i32
    %lt3A_50 = arith.cmpi slt, %rem3A_46, %lt3A_49 : i32
    %lt3A_51 = arith.constant 0 : i32
    %lt3A_52 = arith.cmpi slt, %select_n3A_45, %lt3A_51 : i32
    %ne3A_53 = arith.xori %lt3A_50, %lt3A_52 : i1
    %and3A_54 = arith.andi %ne3A_53, %ne3A_48 : i1
    %add3A_55 = arith.addi %rem3A_46, %select_n3A_45 : i32
    %select_n3A_56 = arith.select %and3A_54, %add3A_55, %rem3A_46 : i32
    %ne3A_57 = arith.constant 0 : i32
    %ne3A_58 = arith.cmpi ne, %select_n3A_56, %ne3A_57 : i32
    %convert_element_type3A_59 = arith.extui %ne3A_58 : i1 to i32
    %cond3A_60 = arith.constant 0 : i32
    %cond3A_61 = arith.cmpi ne, %convert_element_type3A_59, %cond3A_60 : i32
    scf.if %cond3A_61 {
      %get3A_72 = arith.constant 0 : index
      %get3A_73 = arith.constant 0 : index
      %get3A_74 = vector.load %arg8[%get3A_72, %get3A_73] : memref<512x1xf32, #tpu.memory_space<vmem>>, vector<512x1xf32>
      %lt3A_75 = arith.cmpf olt, %broadcast_in_dim3A, %get3A_74 : vector<512x1xf32>
      %get3A_76 = arith.constant 0 : index
      %get3A_77 = arith.constant 0 : index
      %get3A_78 = vector.load %arg9[%get3A_76, %get3A_77] : memref<512x1xi32, #tpu.memory_space<vmem>>, vector<512x1xi32>
      %select_n3A_79 = arith.select %lt3A_75, %broadcast_in_dim3A_25, %get3A_78 : vector<512x1xi1>, vector<512x1xi32>
      %swap3A = arith.constant 0 : index
      %swap3A_80 = arith.constant 0 : index
      %swap3A_81 = vector.load %arg9[%swap3A, %swap3A_80] : memref<512x1xi32, #tpu.memory_space<vmem>>, vector<512x1xi32>
      tpu.vector_store %arg9[%swap3A, %swap3A_80], %select_n3A_79 {strides = array<i32>} : memref<512x1xi32, #tpu.memory_space<vmem>>, vector<512x1xi32>,
      %get3A_82 = arith.constant 0 : index
      %get3A_83 = arith.constant 0 : index
      %get3A_84 = vector.load %arg8[%get3A_82, %get3A_83] : memref<512x1xf32, #tpu.memory_space<vmem>>, vector<512x1xf32>
      %select_n3A_85 = arith.select %lt3A_75, %broadcast_in_dim3A, %get3A_84 : vector<512x1xi1>, vector<512x1xf32>
      %swap3A_86 = arith.constant 0 : index
      %swap3A_87 = arith.constant 0 : index
      %swap3A_88 = vector.load %arg8[%swap3A_86, %swap3A_87] : memref<512x1xf32, #tpu.memory_space<vmem>>, vector<512x1xf32>
      tpu.vector_store %arg8[%swap3A_86, %swap3A_87], %select_n3A_85 {strides = array<i32>} : memref<512x1xf32, #tpu.memory_space<vmem>>, vector<512x1xf32>,
    } else {
    }
    %eq3A_62 = arith.constant 1 : i32
    %eq3A_63 = arith.cmpi eq, %arg1, %eq3A_62 : i32
    %convert_element_type3A_64 = arith.extui %eq3A_63 : i1 to i32
    %cond3A_65 = arith.constant 0 : i32
    %cond3A_66 = arith.cmpi ne, %convert_element_type3A_64, %cond3A_65 : i32
    scf.if %cond3A_66 {
      %get3A_72 = arith.constant 0 : index
      %get3A_73 = arith.constant 0 : index
      %get3A_74 = vector.load %arg8[%get3A_72, %get3A_73] : memref<512x1xf32, #tpu.memory_space<vmem>>, vector<512x1xf32>
      %convert_element_type3A_75 = arith.truncf %get3A_74 : vector<512x1xf32> to vector<512x1xbf16>
      %convert_element_type3A_76 = arith.extf %convert_element_type3A_75 : vector<512x1xbf16> to vector<512x1xf32>
      %swap3A = arith.constant 0 : index
      %swap3A_77 = arith.constant 0 : index
      %swap3A_78 = vector.load %arg10[%swap3A, %swap3A_77] : memref<512x1xf32, #tpu.memory_space<vmem>>, vector<512x1xf32>
      tpu.vector_store %arg10[%swap3A, %swap3A_77], %convert_element_type3A_76 {strides = array<i32>} : memref<512x1xf32, #tpu.memory_space<vmem>>, vector<512x1xf32>,
      %get3A_79 = arith.constant 0 : index
      %get3A_80 = arith.constant 0 : index
      %get3A_81 = vector.load %arg8[%get3A_79, %get3A_80] : memref<512x1xf32, #tpu.memory_space<vmem>>, vector<512x1xf32>
      %swap3A_82 = arith.constant 0 : index
      %swap3A_83 = arith.constant 0 : index
      %swap3A_84 = vector.load %arg11[%swap3A_82, %swap3A_83] : memref<512x1xf32, #tpu.memory_space<vmem>>, vector<512x1xf32>
      tpu.vector_store %arg11[%swap3A_82, %swap3A_83], %get3A_81 {strides = array<i32>} : memref<512x1xf32, #tpu.memory_space<vmem>>, vector<512x1xf32>,
      %get3A_85 = arith.constant 0 : index
      %get3A_86 = arith.constant 0 : index
      %get3A_87 = vector.load %arg9[%get3A_85, %get3A_86] : memref<512x1xi32, #tpu.memory_space<vmem>>, vector<512x1xi32>
      %swap3A_88 = arith.constant 0 : index
      %swap3A_89 = arith.constant 0 : index
      %swap3A_90 = vector.load %arg12[%swap3A_88, %swap3A_89] : memref<512x1xi32, #tpu.memory_space<vmem>>, vector<512x1xi32>
      tpu.vector_store %arg12[%swap3A_88, %swap3A_89], %get3A_87 {strides = array<i32>} : memref<512x1xi32, #tpu.memory_space<vmem>>, vector<512x1xi32>,
    } else {
    }
    %eq3A_67 = arith.constant 3 : i32
    %eq3A_68 = arith.cmpi eq, %arg1, %eq3A_67 : i32
    %convert_element_type3A_69 = arith.extui %eq3A_68 : i1 to i32
    %cond3A_70 = arith.constant 0 : i32
    %cond3A_71 = arith.cmpi ne, %convert_element_type3A_69, %cond3A_70 : i32
    scf.if %cond3A_71 {
      %get3A_72 = arith.constant 0 : index
      %get3A_73 = arith.constant 0 : index
      %get3A_74 = vector.load %arg8[%get3A_72, %get3A_73] : memref<512x1xf32, #tpu.memory_space<vmem>>, vector<512x1xf32>
      %get3A_75 = arith.constant 0 : index
      %get3A_76 = arith.constant 0 : index
      %get3A_77 = vector.load %arg10[%get3A_75, %get3A_76] : memref<512x1xf32, #tpu.memory_space<vmem>>, vector<512x1xf32>
      %lt3A_78 = arith.cmpf olt, %get3A_74, %get3A_77 : vector<512x1xf32>
      %get3A_79 = arith.constant 0 : index
      %get3A_80 = arith.constant 0 : index
      %get3A_81 = vector.load %arg8[%get3A_79, %get3A_80] : memref<512x1xf32, #tpu.memory_space<vmem>>, vector<512x1xf32>
      %get3A_82 = arith.constant 0 : index
      %get3A_83 = arith.constant 0 : index
      %get3A_84 = vector.load %arg11[%get3A_82, %get3A_83] : memref<512x1xf32, #tpu.memory_space<vmem>>, vector<512x1xf32>
      %select_n3A_85 = arith.select %lt3A_78, %get3A_81, %get3A_84 : vector<512x1xi1>, vector<512x1xf32>
      %get3A_86 = arith.constant 0 : index
      %get3A_87 = arith.constant 0 : index
      %get3A_88 = vector.load %arg9[%get3A_86, %get3A_87] : memref<512x1xi32, #tpu.memory_space<vmem>>, vector<512x1xi32>
      %get3A_89 = arith.constant 0 : index
      %get3A_90 = arith.constant 0 : index
      %get3A_91 = vector.load %arg12[%get3A_89, %get3A_90] : memref<512x1xi32, #tpu.memory_space<vmem>>, vector<512x1xi32>
      %select_n3A_92 = arith.select %lt3A_78, %get3A_88, %get3A_91 : vector<512x1xi1>, vector<512x1xi32>
      %swap3A = arith.constant 0 : index
      %swap3A_93 = arith.constant 0 : index
      %swap3A_94 = vector.load %arg6[%swap3A, %swap3A_93] : memref<512x1xi32, #tpu.memory_space<vmem>>, vector<512x1xi32>
      tpu.vector_store %arg6[%swap3A, %swap3A_93], %select_n3A_92 {strides = array<i32>} : memref<512x1xi32, #tpu.memory_space<vmem>>, vector<512x1xi32>,
      %reduce_sum3A = vector.shape_cast %select_n3A_85 : vector<512x1xf32> to vector<1x512x1xf32>
      %reduce_sum3A_95 = arith.constant dense<0.000000e+00> : vector<1xf32>
      %reduce_sum3A_96 = vector.multi_reduction <add>, %reduce_sum3A, %reduce_sum3A_95 [1, 2] : vector<1x512x1xf32> to vector<1xf32>
      %reduce_sum3A_97 = vector.shape_cast %reduce_sum3A_96 : vector<1xf32> to vector<1x1x1xf32>
      %reduce_sum3A_98 = vector.extract %reduce_sum3A_97[0, 0, 0] : f32 from vector<1x1x1xf32>
      %broadcast_in_dim3A_99 = vector.broadcast %reduce_sum3A_98 : f32 to vector<1x1xf32>
      %eq3A_100 = arith.constant 0 : i32
      %eq3A_101 = arith.cmpi eq, %arg0, %eq3A_100 : i32
      %broadcast_in_dim3A_102 = arith.constant 0.000000e+00 : f32
      %broadcast_in_dim3A_103 = vector.broadcast %broadcast_in_dim3A_102 : f32 to vector<1x1xf32>
      %get3A_104 = arith.constant 0 : index
      %get3A_105 = arith.constant 0 : index
      %get3A_106 = vector.load %arg7[%get3A_104, %get3A_105] : memref<1x1xf32, #tpu.memory_space<vmem>>, vector<1x1xf32>
      %select_n3A_107 = arith.select %eq3A_101, %broadcast_in_dim3A_103, %get3A_106 : vector<1x1xf32>
      %add3A_108 = arith.addf %select_n3A_107, %broadcast_in_dim3A_99 : vector<1x1xf32>
      %eq3A_109 = arith.constant 15 : i32
      %eq3A_110 = arith.cmpi eq, %arg0, %eq3A_109 : i32
      %mul3A_111 = arith.constant 5.96046448E-7 : f32
      %mul3A_112 = vector.broadcast %mul3A_111 : f32 to vector<1x1xf32>
      %mul3A_113 = arith.mulf %add3A_108, %mul3A_112 : vector<1x1xf32>
      %select_n3A_114 = arith.select %eq3A_110, %mul3A_113, %add3A_108 : vector<1x1xf32>
      %swap3A_115 = arith.constant 0 : index
      %swap3A_116 = arith.constant 0 : index
      %swap3A_117 = vector.load %arg7[%swap3A_115, %swap3A_116] : memref<1x1xf32, #tpu.memory_space<vmem>>, vector<1x1xf32>
      tpu.vector_store %arg7[%swap3A_115, %swap3A_116], %select_n3A_114 {strides = array<i32>} : memref<1x1xf32, #tpu.memory_space<vmem>>, vector<1x1xf32>,
    } else {
    }
    return
  }
  func.func @transform_0(%arg0: i32, %arg1: i32) -> (i32, i32) {
    %c0_i32 = arith.constant 0 : i32
    %c0_i32_0 = arith.constant 0 : i32
    return %arg0, %c0_i32 : i32, i32
  }
  func.func @transform_1(%arg0: i32, %arg1: i32) -> (i32, i32) {
    %c0_i32 = arith.constant 0 : i32
    %c0_i32_0 = arith.constant 0 : i32
    return %arg1, %c0_i32 : i32, i32
  }
  func.func @transform_2(%arg0: i32, %arg1: i32) -> (i32, i32) {
    %c0_i32 = arith.constant 0 : i32
    %c0_i32_0 = arith.constant 0 : i32
    return %arg0, %c0_i32 : i32, i32
  }
  func.func @transform_3(%arg0: i32, %arg1: i32) -> (i32, i32) {
    %c0_i32 = arith.constant 0 : i32
    %c0_i32_0 = arith.constant 0 : i32
    return %c0_i32, %arg1 : i32, i32
  }
  func.func @transform_4(%arg0: i32, %arg1: i32) -> (i32, i32) {
    %c0_i32 = arith.constant 0 : i32
    %c0_i32_0 = arith.constant 0 : i32
    return %arg0, %c0_i32 : i32, i32
  }
  func.func @transform_5(%arg0: i32, %arg1: i32) -> (i32, i32) {
    %c0_i32 = arith.constant 0 : i32
    %c0_i32_0 = arith.constant 0 : i32
    %c0_i32_1 = arith.constant 0 : i32
    return %c0_i32, %c0_i32_0 : i32, i32
  }
}

</mosaic_0001>

<sc_bundles>
// kernel: kernel.4.cloned.1.call-start
scs
__scs_entry_jumppad:
0x0: {  	(pc) =	sbr.rel $0x88, $3  }
0x1: {  	(tag) =	ssettag $0x0;
	lr =	simm.s32 $0x1  }
0x2: {  	[smem:$0x3F9F] =	sst lr;
	_ =	strace $0xD0000000  }
0x3: {  	_ = 	snop  }
0x4: {  	_ = 	snop  }
0x5: {  	_ = 	snop  }
0x6: {  	_ = 	snop  }
0x7: {  	_ = 	snop  }
__scs_overlays_trampoline_lowered:
0x8: {  	[smem:$0x3FAE] =	sst s0  }
0x9: {  	[smem:$0x3FAF] =	sst s1  }
0xa: {  	[smem:$0x3FB0] =	sst s2  }
0xb: {  	[smem:$0x3FB1] =	sst s3  }
0xc: {  	[smem:$0x3FB2] =	sst s4  }
0xd: {  	[smem:$0x3FB3] =	sst s5  }
0xe: {  	[smem:$0x3FB4] =	sst s6  }
0xf: {  	[smem:$0x3FB5] =	sst s7  }
0x10: {  	[smem:$0x3FB6] =	sst s8  }
0x11: {  	[smem:$0x3FB7] =	sst s9;
	s0 =	simm.s32 @!p0 $0x0  }
0x12: {  	s1 =	sld [smem:$0x3F9D];
	s0 =	simm.s32 @p0 $0x1  }
0x13: {  	[smem:$0x3FB8] =	sst s0;
	s0 =	simm.s32 @!p1 $0x0  }
0x14: {  	s2 =	sld [smem:$0x3F9C];
	s0 =	simm.s32 @p1 $0x1  }
0x15: {  	[smem:$0x3FB9] =	sst s0;
	s0 =	simm.s32 @!p2 $0x0  }
0x16: {  	s3 =	sld [smem:$0x3FDB];
	s0 =	simm.s32 @p2 $0x1  }
0x17: {  	s4 =	simm.s32 $0x1BF5;
	[smem:$0x3FBB] =	sst s0  }
0x18: {  	s0 =	sld [smem:$0x3F9E];
	_ =	swait.ge [sflag:s4], $0x0  }
0x19: {  	s7 =	sld [smem:$0x3F9F]  }
0x1a: {  	s8 =	sadd.s32 $0xFFFFE003, lr  }
0x1b: {  	s9 =	sadd.s32 $0xFFFFFEF7, lr;
	s5 =	simm.s32 $0xFFFFFFFF;
	p2 =	slt.u32 s8, $0xFFFFF086  }
0x1c: {  	p1 =	slt.u32 s9, $0xF7A;
	s5 =	simm.s32 @!p2 $0x0  }
0x1d: {  	s5 =	simm.s32 @p1 $0x1;
	p0 =	seq.s32 s7, s2  }
0x1e: {  	s7 =	smul.u32 @!p0 $0xF7A, s2;
	p2 =	seq.s32 @!p0 s5, $0x0  }
0x1f: {  	s9 =	smul.u32 $0xF7A, s1;
	s8 =	simm.s32 @!p0 $0x1BF5;
	p2 =	por !p2, p0  }
0x20: {  	[sflag:s8] =	ssyncset.s32 @!p0 $0xFFFFF086;
	s6 =	sadd.s32 @!p0 s3, s7;
	s7 =	simm.s32 @!p0 $0x108  }
0x21: {  	s3 =	sadd.s32 s3, s9;
	s6 =	sadd.s32 @!p0 $0x88, s6;
	s7 =	simm.s32 @p2 $0x1082  }
0x22: {  	[simem:s7], [sflag:s8] =	dma.local @!p0 [hbm:s6], $0xF7A  }
0x23: {  	s9 =	sor.u32 $0xD0000000, s2;
	s6 =	simm.s32 $0x108;
	_ =	swait.ge @!p0 [sflag:s8], $0x0  }
0x24: {  	s3 =	sadd.s32 $0x88, s3;
	s6 =	simm.s32 @!p1 $0x1082;
	[sflag:s4] =	ssyncset.s32 $0xFFFFF086  }
0x25: {  	[simem:s6], [sflag:s4] =	dma.local [hbm:s3], $0xF7A  }
0x26: {  	[smem:$0x3F9F] =	sst s1;
	(tag) =	ssettag s2;
	_ =	strace s9  }
0x27: {  	s1 =	sld [smem:$0x3FAF]  }
0x28: {  	s2 =	sld [smem:$0x3FB0]  }
0x29: {  	s4 =	sld [smem:$0x3FB2]  }
0x2a: {  	p0 =	seq.s32 s5, $0x0;
	s5 =	sld [smem:$0x3FB3]  }
0x2b: {  	s6 =	sld [smem:$0x3FB4]  }
0x2c: {  	s7 =	sld [smem:$0x3FB5]  }
0x2d: {  	s3 =	simm.s32 $0x108;
	s8 =	sld [smem:$0x3FB6]  }
0x2e: {  	s3 =	simm.s32 @!p0 $0x1082;
	s9 =	sld [smem:$0x3FB7]  }
0x2f: {  	lr =	sadd.s32 s0, s3;
	s0 =	sld [smem:$0x3FAE]  }
0x30: {  	s3 =	sld [smem:$0x3FB1]  }
0x31: {  	[smem:$0x3FBA] =	sst s10  }
0x32: {  	s10 =	sld [smem:$0x3FB8];
	_ =	sdelay $0x3  }
0x33: {  	p0 =	seq.s32 s10, $0x1;
	s10 =	sld [smem:$0x3FBA];
	_ =	sdelay $0x3  }
0x34: {  	[smem:$0x3FBA] =	sst s10  }
0x35: {  	s10 =	sld [smem:$0x3FB9];
	_ =	sdelay $0x3  }
0x36: {  	p1 =	seq.s32 s10, $0x1;
	s10 =	sld [smem:$0x3FBA];
	_ =	sdelay $0x3  }
0x37: {  	[smem:$0x3FBA] =	sst s10  }
0x38: {  	s10 =	sld [smem:$0x3FBB]  }
0x39: {  	_ = 	snop;
	(pc) =	sbr.ind lr, $3  }
0x3a: {  	_ = 	snop  }
0x3b: {  	_ = 	snop  }
0x3c: {  	p2 =	seq.s32 s10, $0x1;
	s10 =	sld [smem:$0x3FBA]  }
0x3d: {  	_ =	shalt  }
0x3e: {  	_ =	shalt  }
0x3f: {  	_ =	shalt  }
0x40: {  	_ =	shalt  }
0x41: {  	_ =	shalt  }
0x42: {  	_ =	shalt  }
0x43: {  	_ =	shalt  }
0x44: {  	_ =	shalt  }
0x45: {  	_ =	shalt  }
0x46: {  	_ =	shalt  }
0x47: {  	_ =	shalt  }
0x48: {  	_ =	shalt  }
0x49: {  	_ =	shalt  }
0x4a: {  	_ =	shalt  }
0x4b: {  	_ =	shalt  }
0x4c: {  	_ =	shalt  }
0x4d: {  	_ =	shalt  }
0x4e: {  	_ =	shalt  }
0x4f: {  	_ =	shalt  }
0x50: {  	_ =	shalt  }
0x51: {  	_ =	shalt  }
0x52: {  	_ =	shalt  }
0x53: {  	_ =	shalt  }
0x54: {  	_ =	shalt  }
0x55: {  	_ =	shalt  }
0x56: {  	_ =	shalt  }
0x57: {  	_ =	shalt  }
0x58: {  	_ =	shalt  }
0x59: {  	_ =	shalt  }
0x5a: {  	_ =	shalt  }
0x5b: {  	_ =	shalt  }
0x5c: {  	_ =	shalt  }
0x5d: {  	_ =	shalt  }
0x5e: {  	_ =	shalt  }
0x5f: {  	_ =	shalt  }
0x60: {  	_ =	shalt  }
0x61: {  	_ =	shalt  }
0x62: {  	_ =	shalt  }
0x63: {  	_ =	shalt  }
0x64: {  	_ =	shalt  }
0x65: {  	_ =	shalt  }
0x66: {  	_ =	shalt  }
0x67: {  	_ =	shalt  }
0x68: {  	_ =	shalt  }
0x69: {  	_ =	shalt  }
0x6a: {  	_ =	shalt  }
0x6b: {  	_ =	shalt  }
0x6c: {  	_ =	shalt  }
0x6d: {  	_ =	shalt  }
0x6e: {  	_ =	shalt  }
0x6f: {  	_ =	shalt  }
0x70: {  	_ =	shalt  }
0x71: {  	_ =	shalt  }
0x72: {  	_ =	shalt  }
0x73: {  	_ =	shalt  }
0x74: {  	_ =	shalt  }
0x75: {  	_ =	shalt  }
0x76: {  	_ =	shalt  }
0x77: {  	_ =	shalt  }
0x78: {  	_ =	shalt  }
0x79: {  	_ =	shalt  }
0x7a: {  	_ =	shalt  }
0x7b: {  	_ =	shalt  }
0x7c: {  	_ =	shalt  }
0x7d: {  	_ =	shalt  }
0x7e: {  	_ =	shalt  }
0x7f: {  	_ =	shalt  }
0x80: {  	_ =	shalt  }
0x81: {  	_ =	shalt  }
0x82: {  	_ =	shalt  }
0x83: {  	_ =	shalt  }
0x84: {  	_ =	shalt  }
0x85: {  	_ =	shalt  }
0x86: {  	_ =	shalt  }
0x87: {  	_ =	shalt  }
.Lfunc_end0:
.L_simem_size_0:
called_computation_lowered:
.L_overlay_start_0:
0x88: {  	s2 =	sld [smem:$0x3FD9]  }
0x89: {  	s3 =	sld [smem:$0x3FFE];
	_ =	sdelay $0x1  }
0x8a: {  	s1 =	srdreg.scid  }
0x8b: {  	s0 =	sand.u32 $0x1, s1  }
0x8c: {  	s15 =	sshll.u32 s0, $0xA;
	s2 =	sadd.s32 s3, s2  }
0x8d: {  	s2 =	sadd.s32 s2, s15  }
0x8e: {  	[smem:$0x3FC6] =	sst s2  }
0x8f: {  	_ = 	snop  }
0x90: {  	s2 =	sld [smem:$0x3FD0];
	_ =	sdelay $0x2  }
0x91: {  	s4 =	simm.s32 $0xA;
	s5 =	simm.s32 $0x10;
	s16 =	sld [smem:$0x3FC8]  }
0x92: {  	[smem:s5], [sflag:s4] =	dma.local [hbm:s2], $0x1  }
0x93: {  	_ =	swait.eq [sflag:s4], $0x1  }
0x94: {  	[sflag:s4] =	ssyncset.done $0x0  }
0x95: {  	s17 =	sld [smem:$0x11];
	[sflag:s4] =	ssyncadd.s32 $0xFFFFFFFF  }
0x96: {  	s18 =	sld [smem:$0x12];
	(tm) =	ssettm $0x1  }
0x97: {  	s19 =	sld [smem:$0x3FFB];
	_ =	sdelay $0x3  }
0x98: {  	_ =	strace s19  }
0x99: {  	s5 =	sld [smem:$0x3FFC];
	_ =	sdelay $0x3  }
0x9a: {  	_ =	strace s5  }
0x9b: {  	s5 =	sld [smem:$0x3FFD];
	_ =	sdelay $0x3  }
0x9c: {  	_ =	strace s5  }
0x9d: {  	_ =	strace $0x8FFFFFFF  }
0x9e: {  	s20 =	sld [smem:$0x3FDB];
	_ =	sdelay $0x1  }
0x9f: {  	s6 =	simm.s32 $_scs_section_size  }
0xa0: {  	s7 =	simm.s32 $_size__tile_overlayer_lowered;
	s8 =	simm.s32 $_tile_overlayer_lowered  }
0xa1: {  	s23 =	simm.s32 $0x1BFF;
	s22 =	sshll.u32 s8, $0x1;
	s5 =	sadd.s32 s6, s20  }
0xa2: {  	s9 =	simm.s32 $0x0;
	s21 =	sshll.u32 s7, $0x1;
	s7 =	sadd.s32 s22, s5  }
0xa3: {  	[timem:s9], [sflag:s23] =	dma.local [hbm:s7], s21  }
0xa4: {  	_ =	swait.ge [sflag:s23], s21  }
0xa5: {  	s6 =	ssub.s32 $0x0, s21;
	[sflag:s23] =	ssyncset.done $0x0  }
0xa6: {  	[sflag:s23] =	ssyncadd.s32 s6;
	_ =	sdelay $0x1  }
0xa7: {  	s24 =	simm.s32 $0x1B8B  }
0xa8: {  	_ =	swait.ge [sflag:s24], $0x1  }
0xa9: {  	[sflag:s24] =	ssyncset.done $0x0  }
0xaa: {  	s25 =	simm.s32 $0x1B8E;
	[sflag:s24] =	ssyncadd.s32 $0xFFFFFFFF  }
0xab: {  	s26 =	simm.s32 $execute0_lowered;
	[smem:$0x3FD2] =	sst s25  }
0xac: {  	s6 =	sshll.u32 s26, $0x1;
	_ =	strace $0x80000046;
	[dreg:$0x1] =	wrdreg $0xFFFFFFFF  }
0xad: {  	s28 =	simm.s32 $_size_execute0_lowered;
	s5 =	sadd.s32 s5, s6;
	[dreg:$0x0] =	wrdreg $0x0  }
0xae: {  	s6 =	sshll.u32 s28, $0x1;
	[dreg:$0x2] =	wrdreg s5  }
0xaf: {  	[dreg:$0x3] =	wrdreg s6  }
0xb0: {  	[dreg:$0x4] =	wrdreg $0xC0  }
0xb1: {  	_ =	task [dreg:s9], $0x5FFFF  }
0xb2: {  	[dreg:$0x1] =	wrdreg $0xFFFFFFFF  }
0xb3: {  	[dreg:$0x0] =	wrdreg $0x60  }
0xb4: {  	[dreg:$0x2] =	wrdreg s16  }
0xb5: {  	[dreg:$0x3] =	wrdreg s18  }
0xb6: {  	[dreg:$0x4] =	wrdreg s17  }
0xb7: {  	[dreg:$0x5] =	wrdreg $0x9  }
0xb8: {  	_ =	task.clear_ibuf [dreg:s9], $0x6FFFF;
	_ =	strace $0x90000046  }
0xb9: {  	s29 =	simm.s32 $0x9;
	_ =	strace $0x80000048  }
0xba: {  	_ =	swait.ge [sflag:s29], $0x1  }
0xbb: {  	[sflag:s29] =	ssyncadd.s32 $0xFFFFFFFF  }
0xbc: {  	_ =	strace $0x90000048  }
0xbd: {  	_ =	sfence  }
0xbe: {  	s30 =	sld [smem:$0x0];
	_ =	sdelay $0x2  }
0xbf: {  	s31 =	sshll.u32 s1, $0xD;
	s1 =	sshrl.u32 s1, $0x2  }
0xc0: {  	s3 =	sand.u32 $0x4000, s31;
	s1 =	sadd.s32 s1, s30  }
0xc1: {  	s0 =	sor.u32 s3, s0;
	s1 =	sshll.u32 s1, $0x11  }
0xc2: {  	s0 =	sor.u32 s1, s0  }
0xc3: {  	s0 =	sadd.s32 $0x8F2B, s0  }
0xc4: {  	[sflag:s0] =	ssyncadd.remote.s32 $0x1  }
0xc5: {  	_ =	sfence.sel $0xFFFF  }
0xc6: {  	[dreg:$0x0] =	wrdreg $0xFFFFFFFF;
	(pc) =	sbr.abs _section_cstart, $3  }
0xc7: {  	[dreg:$0x1] =	wrdreg $0xFFFFFFFF  }
0xc8: {  	_ =	task.clear_ibuf [dreg:s9], $0x2FFFF;
	_ =	strace $0x9FFFFFFF  }
0xc9: {  	(tm) =	ssettm $0x7FFFFFFF  }
tec
execute0_lowered:
.L_overlay_start_1:
0x0: {  	(tag) =	ssettag $0x1  }
0x1: {  	s1 =	rddreg [dreg:$0x0]  }
0x2: {  	s0 =	rddreg [dreg:$0x1]  }
0x3: {  	s2 =	rddreg [dreg:$0x2];
	s4 =	srdreg.scid;
	s3 =	simm.s32 $0x0  }
0x4: {  	s6 =	stileid.u32;
	s22 =	simm.s32 $0x7900;
	s23 =	simm.s32 $0x8100  }
0x5: {  	s28 =	simm.s32 $0xA100;
	s29 =	simm.s32 $0xA900;
	s30 =	simm.s32 $0xB100  }
0x6: {  	s31 =	simm.s32 $0xB900;
	s8 =	simm.s32 $0xD100;
	s9 =	simm.s32 $0xD900  }
0x7: {  	s10 =	simm.s32 $0xE100;
	s11 =	simm.s32 $0xE900;
	s12 =	simm.s32 $0xF100  }
0x8: {  	s13 =	simm.s32 $0xF900;
	s14 =	simm.s32 $0x1;
	s15 =	simm.s32 $0x80  }
0x9: {  	s16 =	simm.s32 $0x100;
	s17 =	simm.s32 $0x0;
	s4 =	sand.u32 $0x1, s4  }
0xa: {  	[smem:$0x7FF] =	sst s3;
	s6 =	sshll.u32 s6, $0x1;
	s5 =	ssub.s32 $0x2, s4  }
0xb: {  	_ =	strace $0x80000047;
	s4 =	sor.u32 s4, s6;
	s7 =	sshrl.u32 s5, $0x1  }
0xc: {  	s25 =	sshll.u32 s4, $0x5;
	s26 =	sshll.u32 s4, $0xD;
	s24 =	ssub.s32 s5, s7  }
0xd: {  	v2 =	vlaneseq.u32;
	s4 =	sadd.s32 s0, s25;
	s5 =	sadd.s32 s2, s26;
	s7 =	simm.s32 $0x2  }
0xe: {  	vm0 =	vmmov $0xffff;
	v1 =	vshrl.u32 v2, $0x3;
	s25 =	simm.s32 $0x9100;
	s26 =	simm.s32 $0x9900;
	s0 =	simm.s32 $0xC100  }
0xf: {  	v0 =	vand.u32 $0x7, v2;
	v2 =	vor.u32 $0x8, v2;
	v1 =	vmul.u32 $0x8, v1;
	s2 =	simm.s32 $0xC900;
	s6 =	smax.u32 s24, $0x1;
	s24 =	simm.s32 $0x8900  }
.LBB2_1:
0x10: {  	[tilespmem:s3], [sflag:$0x2] =	stream.linear.gather [hbm4b:s4+s3], $0x100, $0x38;
	[tilespmem:$0x10100] =	vst v63  }
0x11: {  	_ =	swait.ge [sflag:s7], $0x100  }
0x12: {  	[sflag:s7] =	ssyncset.done $0x0  }
0x13: {  	[sflag:s7] =	ssyncadd.s32 $0xFFFFFF00  }
0x14: {  	v3 =	vld [tilespmem:$0x0];
	_ =	sdelay $0x4  }
0x15: {  	v4 =	vshll.u32 v3, $0x1  }
0x16: {  	v3 =	vand.u32 $0x7, v3;
	v4 =	vand.u32 $0xFFFFFFF0, v4  }
0x17: {  	v3 =	vor.u32 v3, v4  }
0x18: {  	v4 =	vperm.xlane v3, v0;
	_ =	sdelay $0x1  }
0x19: {  	v3 =	vperm.xlane v3, v2;
	v4 =	vadd.s32 v1, v4;
	_ =	sdelay $0x1  }
0x1a: {  	v3 =	vadd.s32 v1, v3;
	_ =	sdelay $0x2  }
0x1b: {  	[tilespmem:s16], [sflag:$0x1] =	stream.indirect_vreg.gather [hbm4b:s1+s3], $0x80, v4, vm0, $0xb8;
	[tilespmem:$0x10100] =	vst v63  }
0x1c: {  	s18 =	simm.s32 $0x900  }
0x1d: {  	[tilespmem:s18], [sflag:$0x1] =	stream.indirect_vreg.gather [hbm4b:s1+s3], $0x80, v3, vm0, $0xb8;
	[tilespmem:$0x10100] =	vst v63  }
0x1e: {  	v3 =	vld [tilespmem:$0x10];
	_ =	sdelay $0x4  }
0x1f: {  	v49 =	vshll.u32 v3, $0x1  }
0x20: {  	v3 =	vand.u32 $0x7, v3;
	v4 =	vand.u32 $0xFFFFFFF0, v49  }
0x21: {  	v3 =	vor.u32 v3, v4  }
0x22: {  	v4 =	vperm.xlane v3, v0;
	_ =	sdelay $0x1  }
0x23: {  	v3 =	vperm.xlane v3, v2;
	v4 =	vadd.s32 v1, v4;
	_ =	sdelay $0x1  }
0x24: {  	v3 =	vadd.s32 v1, v3;
	_ =	sdelay $0x1  }
0x25: {  	s21 =	simm.s32 $0x1100  }
0x26: {  	[tilespmem:s21], [sflag:$0x1] =	stream.indirect_vreg.gather [hbm4b:s1+s3], $0x80, v4, vm0, $0xb8;
	[tilespmem:$0x10100] =	vst v63  }
0x27: {  	s19 =	simm.s32 $0x1900  }
0x28: {  	[tilespmem:s19], [sflag:$0x1] =	stream.indirect_vreg.gather [hbm4b:s1+s3], $0x80, v3, vm0, $0xb8;
	[tilespmem:$0x10100] =	vst v63  }
0x29: {  	v3 =	vld [tilespmem:$0x20];
	_ =	sdelay $0x4  }
0x2a: {  	v50 =	vshll.u32 v3, $0x1  }
0x2b: {  	v3 =	vand.u32 $0x7, v3;
	v4 =	vand.u32 $0xFFFFFFF0, v50  }
0x2c: {  	v3 =	vor.u32 v3, v4  }
0x2d: {  	v4 =	vperm.xlane v3, v0;
	_ =	sdelay $0x1  }
0x2e: {  	v3 =	vperm.xlane v3, v2;
	v4 =	vadd.s32 v1, v4;
	_ =	sdelay $0x1  }
0x2f: {  	v3 =	vadd.s32 v1, v3;
	_ =	sdelay $0x1  }
0x30: {  	s20 =	simm.s32 $0x2100  }
0x31: {  	[tilespmem:s20], [sflag:$0x1] =	stream.indirect_vreg.gather [hbm4b:s1+s3], $0x80, v4, vm0, $0xb8;
	[tilespmem:$0x10100] =	vst v63  }
0x32: {  	s21 =	simm.s32 $0x2900  }
0x33: {  	[tilespmem:s21], [sflag:$0x1] =	stream.indirect_vreg.gather [hbm4b:s1+s3], $0x80, v3, vm0, $0xb8;
	[tilespmem:$0x10100] =	vst v63  }
0x34: {  	v3 =	vld [tilespmem:$0x30];
	_ =	sdelay $0x4  }
0x35: {  	v51 =	vshll.u32 v3, $0x1  }
0x36: {  	v3 =	vand.u32 $0x7, v3;
	v4 =	vand.u32 $0xFFFFFFF0, v51  }
0x37: {  	v3 =	vor.u32 v3, v4  }
0x38: {  	v4 =	vperm.xlane v3, v0;
	_ =	sdelay $0x1  }
0x39: {  	v3 =	vperm.xlane v3, v2;
	v4 =	vadd.s32 v1, v4;
	_ =	sdelay $0x1  }
0x3a: {  	v3 =	vadd.s32 v1, v3;
	_ =	sdelay $0x1  }
0x3b: {  	s19 =	simm.s32 $0x3100  }
0x3c: {  	[tilespmem:s19], [sflag:$0x1] =	stream.indirect_vreg.gather [hbm4b:s1+s3], $0x80, v4, vm0, $0xb8;
	[tilespmem:$0x10100] =	vst v63  }
0x3d: {  	s20 =	simm.s32 $0x3900  }
0x3e: {  	[tilespmem:s20], [sflag:$0x1] =	stream.indirect_vreg.gather [hbm4b:s1+s3], $0x80, v3, vm0, $0xb8;
	[tilespmem:$0x10100] =	vst v63  }
0x3f: {  	v3 =	vld [tilespmem:$0x40];
	_ =	sdelay $0x4  }
0x40: {  	v52 =	vshll.u32 v3, $0x1  }
0x41: {  	v3 =	vand.u32 $0x7, v3;
	v4 =	vand.u32 $0xFFFFFFF0, v52  }
0x42: {  	v3 =	vor.u32 v3, v4  }
0x43: {  	v4 =	vperm.xlane v3, v0;
	_ =	sdelay $0x1  }
0x44: {  	v3 =	vperm.xlane v3, v2;
	v4 =	vadd.s32 v1, v4;
	_ =	sdelay $0x1  }
0x45: {  	v3 =	vadd.s32 v1, v3;
	_ =	sdelay $0x1  }
0x46: {  	s21 =	simm.s32 $0x4100  }
0x47: {  	[tilespmem:s21], [sflag:$0x1] =	stream.indirect_vreg.gather [hbm4b:s1+s3], $0x80, v4, vm0, $0xb8;
	[tilespmem:$0x10100] =	vst v63  }
0x48: {  	s19 =	simm.s32 $0x4900  }
0x49: {  	[tilespmem:s19], [sflag:$0x1] =	stream.indirect_vreg.gather [hbm4b:s1+s3], $0x80, v3, vm0, $0xb8;
	[tilespmem:$0x10100] =	vst v63  }
0x4a: {  	v3 =	vld [tilespmem:$0x50];
	_ =	sdelay $0x4  }
0x4b: {  	v53 =	vshll.u32 v3, $0x1  }
0x4c: {  	v3 =	vand.u32 $0x7, v3;
	v4 =	vand.u32 $0xFFFFFFF0, v53  }
0x4d: {  	v3 =	vor.u32 v3, v4  }
0x4e: {  	v4 =	vperm.xlane v3, v0;
	_ =	sdelay $0x1  }
0x4f: {  	v3 =	vperm.xlane v3, v2;
	v4 =	vadd.s32 v1, v4;
	_ =	sdelay $0x1  }
0x50: {  	v3 =	vadd.s32 v1, v3;
	_ =	sdelay $0x1  }
0x51: {  	s20 =	simm.s32 $0x5100  }
0x52: {  	[tilespmem:s20], [sflag:$0x1] =	stream.indirect_vreg.gather [hbm4b:s1+s3], $0x80, v4, vm0, $0xb8;
	[tilespmem:$0x10100] =	vst v63  }
0x53: {  	s21 =	simm.s32 $0x5900  }
0x54: {  	[tilespmem:s21], [sflag:$0x1] =	stream.indirect_vreg.gather [hbm4b:s1+s3], $0x80, v3, vm0, $0xb8;
	[tilespmem:$0x10100] =	vst v63  }
0x55: {  	v3 =	vld [tilespmem:$0x60];
	_ =	sdelay $0x4  }
0x56: {  	v54 =	vshll.u32 v3, $0x1  }
0x57: {  	v3 =	vand.u32 $0x7, v3;
	v4 =	vand.u32 $0xFFFFFFF0, v54  }
0x58: {  	v3 =	vor.u32 v3, v4  }
0x59: {  	v4 =	vperm.xlane v3, v0;
	_ =	sdelay $0x1  }
0x5a: {  	v3 =	vperm.xlane v3, v2;
	v4 =	vadd.s32 v1, v4;
	_ =	sdelay $0x1  }
0x5b: {  	v3 =	vadd.s32 v1, v3;
	_ =	sdelay $0x1  }
0x5c: {  	s19 =	simm.s32 $0x6100  }
0x5d: {  	[tilespmem:s19], [sflag:$0x1] =	stream.indirect_vreg.gather [hbm4b:s1+s3], $0x80, v4, vm0, $0xb8;
	[tilespmem:$0x10100] =	vst v63  }
0x5e: {  	s20 =	simm.s32 $0x6900  }
0x5f: {  	[tilespmem:s20], [sflag:$0x1] =	stream.indirect_vreg.gather [hbm4b:s1+s3], $0x80, v3, vm0, $0xb8;
	[tilespmem:$0x10100] =	vst v63  }
0x60: {  	v3 =	vld [tilespmem:$0x70];
	_ =	sdelay $0x4  }
0x61: {  	v55 =	vshll.u32 v3, $0x1  }
0x62: {  	v3 =	vand.u32 $0x7, v3;
	v4 =	vand.u32 $0xFFFFFFF0, v55  }
0x63: {  	v3 =	vor.u32 v3, v4  }
0x64: {  	v4 =	vperm.xlane v3, v0;
	_ =	sdelay $0x1  }
0x65: {  	v3 =	vperm.xlane v3, v2;
	v4 =	vadd.s32 v1, v4;
	_ =	sdelay $0x1  }
0x66: {  	v3 =	vadd.s32 v1, v3;
	_ =	sdelay $0x1  }
0x67: {  	s21 =	simm.s32 $0x7100  }
0x68: {  	[tilespmem:s21], [sflag:$0x1] =	stream.indirect_vreg.gather [hbm4b:s1+s3], $0x80, v4, vm0, $0xb8;
	[tilespmem:$0x10100] =	vst v63  }
0x69: {  	_ = 	snop  }
0x6a: {  	[tilespmem:s22], [sflag:$0x1] =	stream.indirect_vreg.gather [hbm4b:s1+s3], $0x80, v3, vm0, $0xb8;
	[tilespmem:$0x10100] =	vst v63  }
0x6b: {  	v3 =	vld [tilespmem:$0x80];
	_ =	sdelay $0x4  }
0x6c: {  	v56 =	vshll.u32 v3, $0x1  }
0x6d: {  	v3 =	vand.u32 $0x7, v3;
	v4 =	vand.u32 $0xFFFFFFF0, v56  }
0x6e: {  	v3 =	vor.u32 v3, v4  }
0x6f: {  	v4 =	vperm.xlane v3, v0;
	_ =	sdelay $0x1  }
0x70: {  	v3 =	vperm.xlane v3, v2;
	v4 =	vadd.s32 v1, v4;
	_ =	sdelay $0x1  }
0x71: {  	v3 =	vadd.s32 v1, v3;
	_ =	sdelay $0x2  }
0x72: {  	[tilespmem:s23], [sflag:$0x1] =	stream.indirect_vreg.gather [hbm4b:s1+s3], $0x80, v4, vm0, $0xb8;
	[tilespmem:$0x10100] =	vst v63  }
0x73: {  	_ = 	snop  }
0x74: {  	[tilespmem:s24], [sflag:$0x1] =	stream.indirect_vreg.gather [hbm4b:s1+s3], $0x80, v3, vm0, $0xb8;
	[tilespmem:$0x10100] =	vst v63  }
0x75: {  	v3 =	vld [tilespmem:$0x90];
	_ =	sdelay $0x4  }
0x76: {  	v57 =	vshll.u32 v3, $0x1  }
0x77: {  	v3 =	vand.u32 $0x7, v3;
	v4 =	vand.u32 $0xFFFFFFF0, v57  }
0x78: {  	v3 =	vor.u32 v3, v4  }
0x79: {  	v4 =	vperm.xlane v3, v0;
	_ =	sdelay $0x1  }
0x7a: {  	v3 =	vperm.xlane v3, v2;
	v4 =	vadd.s32 v1, v4;
	_ =	sdelay $0x1  }
0x7b: {  	v3 =	vadd.s32 v1, v3;
	_ =	sdelay $0x2  }
0x7c: {  	[tilespmem:s25], [sflag:$0x1] =	stream.indirect_vreg.gather [hbm4b:s1+s3], $0x80, v4, vm0, $0xb8;
	[tilespmem:$0x10100] =	vst v63  }
0x7d: {  	_ = 	snop  }
0x7e: {  	[tilespmem:s26], [sflag:$0x1] =	stream.indirect_vreg.gather [hbm4b:s1+s3], $0x80, v3, vm0, $0xb8;
	[tilespmem:$0x10100] =	vst v63  }
0x7f: {  	v3 =	vld [tilespmem:$0xA0];
	_ =	sdelay $0x4  }
0x80: {  	v58 =	vshll.u32 v3, $0x1  }
0x81: {  	v3 =	vand.u32 $0x7, v3;
	v4 =	vand.u32 $0xFFFFFFF0, v58  }
0x82: {  	v3 =	vor.u32 v3, v4  }
0x83: {  	v4 =	vperm.xlane v3, v0;
	_ =	sdelay $0x1  }
0x84: {  	v3 =	vperm.xlane v3, v2;
	v4 =	vadd.s32 v1, v4;
	_ =	sdelay $0x1  }
0x85: {  	v3 =	vadd.s32 v1, v3;
	_ =	sdelay $0x2  }
0x86: {  	[tilespmem:s28], [sflag:$0x1] =	stream.indirect_vreg.gather [hbm4b:s1+s3], $0x80, v4, vm0, $0xb8;
	[tilespmem:$0x10100] =	vst v63  }
0x87: {  	_ = 	snop  }
0x88: {  	[tilespmem:s29], [sflag:$0x1] =	stream.indirect_vreg.gather [hbm4b:s1+s3], $0x80, v3, vm0, $0xb8;
	[tilespmem:$0x10100] =	vst v63  }
0x89: {  	v3 =	vld [tilespmem:$0xB0];
	_ =	sdelay $0x4  }
0x8a: {  	v59 =	vshll.u32 v3, $0x1  }
0x8b: {  	v3 =	vand.u32 $0x7, v3;
	v4 =	vand.u32 $0xFFFFFFF0, v59  }
0x8c: {  	v3 =	vor.u32 v3, v4  }
0x8d: {  	v4 =	vperm.xlane v3, v0;
	_ =	sdelay $0x1  }
0x8e: {  	v3 =	vperm.xlane v3, v2;
	v4 =	vadd.s32 v1, v4;
	_ =	sdelay $0x1  }
0x8f: {  	v3 =	vadd.s32 v1, v3;
	_ =	sdelay $0x2  }
0x90: {  	[tilespmem:s30], [sflag:$0x1] =	stream.indirect_vreg.gather [hbm4b:s1+s3], $0x80, v4, vm0, $0xb8;
	[tilespmem:$0x10100] =	vst v63  }
0x91: {  	_ = 	snop  }
0x92: {  	[tilespmem:s31], [sflag:$0x1] =	stream.indirect_vreg.gather [hbm4b:s1+s3], $0x80, v3, vm0, $0xb8;
	[tilespmem:$0x10100] =	vst v63  }
0x93: {  	v3 =	vld [tilespmem:$0xC0];
	_ =	sdelay $0x4  }
0x94: {  	v60 =	vshll.u32 v3, $0x1  }
0x95: {  	v3 =	vand.u32 $0x7, v3;
	v4 =	vand.u32 $0xFFFFFFF0, v60  }
0x96: {  	v3 =	vor.u32 v3, v4  }
0x97: {  	v4 =	vperm.xlane v3, v0;
	_ =	sdelay $0x1  }
0x98: {  	v3 =	vperm.xlane v3, v2;
	v4 =	vadd.s32 v1, v4;
	_ =	sdelay $0x1  }
0x99: {  	v3 =	vadd.s32 v1, v3;
	_ =	sdelay $0x2  }
0x9a: {  	[tilespmem:s0], [sflag:$0x1] =	stream.indirect_vreg.gather [hbm4b:s1+s3], $0x80, v4, vm0, $0xb8;
	[tilespmem:$0x10100] =	vst v63  }
0x9b: {  	_ = 	snop  }
0x9c: {  	[tilespmem:s2], [sflag:$0x1] =	stream.indirect_vreg.gather [hbm4b:s1+s3], $0x80, v3, vm0, $0xb8;
	[tilespmem:$0x10100] =	vst v63  }
0x9d: {  	v3 =	vld [tilespmem:$0xD0];
	_ =	sdelay $0x4  }
0x9e: {  	v61 =	vshll.u32 v3, $0x1  }
0x9f: {  	v3 =	vand.u32 $0x7, v3;
	v4 =	vand.u32 $0xFFFFFFF0, v61  }
0xa0: {  	v3 =	vor.u32 v3, v4  }
0xa1: {  	v4 =	vperm.xlane v3, v0;
	_ =	sdelay $0x1  }
0xa2: {  	v3 =	vperm.xlane v3, v2;
	v4 =	vadd.s32 v1, v4;
	_ =	sdelay $0x1  }
0xa3: {  	v3 =	vadd.s32 v1, v3;
	_ =	sdelay $0x2  }
0xa4: {  	[tilespmem:s8], [sflag:$0x1] =	stream.indirect_vreg.gather [hbm4b:s1+s3], $0x80, v4, vm0, $0xb8;
	[tilespmem:$0x10100] =	vst v63  }
0xa5: {  	_ = 	snop  }
0xa6: {  	[tilespmem:s9], [sflag:$0x1] =	stream.indirect_vreg.gather [hbm4b:s1+s3], $0x80, v3, vm0, $0xb8;
	[tilespmem:$0x10100] =	vst v63  }
0xa7: {  	v3 =	vld [tilespmem:$0xE0];
	_ =	sdelay $0x4  }
0xa8: {  	v62 =	vshll.u32 v3, $0x1  }
0xa9: {  	v3 =	vand.u32 $0x7, v3;
	v4 =	vand.u32 $0xFFFFFFF0, v62  }
0xaa: {  	v3 =	vor.u32 v3, v4  }
0xab: {  	v4 =	vperm.xlane v3, v0;
	_ =	sdelay $0x1  }
0xac: {  	v3 =	vperm.xlane v3, v2;
	v4 =	vadd.s32 v1, v4;
	_ =	sdelay $0x1  }
0xad: {  	v3 =	vadd.s32 v1, v3;
	_ =	sdelay $0x2  }
0xae: {  	[tilespmem:s10], [sflag:$0x1] =	stream.indirect_vreg.gather [hbm4b:s1+s3], $0x80, v4, vm0, $0xb8;
	[tilespmem:$0x10100] =	vst v63  }
0xaf: {  	_ = 	snop  }
0xb0: {  	[tilespmem:s11], [sflag:$0x1] =	stream.indirect_vreg.gather [hbm4b:s1+s3], $0x80, v3, vm0, $0xb8;
	[tilespmem:$0x10100] =	vst v63  }
0xb1: {  	v3 =	vld [tilespmem:$0xF0];
	_ =	sdelay $0x4  }
0xb2: {  	v63 =	vshll.u32 v3, $0x1  }
0xb3: {  	v3 =	vand.u32 $0x7, v3;
	v4 =	vand.u32 $0xFFFFFFF0, v63  }
0xb4: {  	v3 =	vor.u32 v3, v4  }
0xb5: {  	v4 =	vperm.xlane v3, v0;
	_ =	sdelay $0x1  }
0xb6: {  	v3 =	vperm.xlane v3, v2;
	v4 =	vadd.s32 v1, v4;
	_ =	sdelay $0x1  }
0xb7: {  	v3 =	vadd.s32 v1, v3;
	_ =	sdelay $0x2  }
0xb8: {  	[tilespmem:s12], [sflag:$0x1] =	stream.indirect_vreg.gather [hbm4b:s1+s3], $0x80, v4, vm0, $0xb8;
	[tilespmem:$0x10100] =	vst v63  }
0xb9: {  	_ = 	snop  }
0xba: {  	[tilespmem:s13], [sflag:$0x1] =	stream.indirect_vreg.gather [hbm4b:s1+s3], $0x80, v3, vm0, $0xb8;
	[tilespmem:$0x10100] =	vst v63  }
0xbb: {  	_ =	swait.ge [sflag:s14], $0x8000  }
0xbc: {  	[sflag:s14] =	ssyncset.done $0x0  }
0xbd: {  	[sflag:s14] =	ssyncadd.s32 $0xFFFF8000  }
0xbe: {  	_ =	swait.ge [sflag:s14], $0x8000  }
0xbf: {  	[sflag:s14] =	ssyncset.done $0x0  }
0xc0: {  	s18 =	simm.s32 $0x100;
	s19 =	sadd.s32 $0x0, s5;
	[sflag:s14] =	ssyncadd.s32 $0xFFFF8000  }
0xc1: {  	[hbm4b:s19+s15] =	stream.strided.scatter [tilespmem:s16], [sflag:$0x2], $0x400, s16, s15, $0x38;
	[tilespmem:$0x10100] =	vst v63  }
0xc2: {  	s20 =	simm.s32 $0x500;
	s21 =	sadd.s32 $0x10, s19;
	s19 =	simm.s32 $0x900  }
.LBB2_2:
0xc3: {  	[hbm4b:s21+s15] =	stream.strided.scatter [tilespmem:s20], [sflag:$0x2], $0x400, s16, s15, $0x38;
	[tilespmem:$0x10100] =	vst v63  }
0xc4: {  	s20 =	smov.u32 s18;
	p0 =	sne.s32 s18, $0x1F00  }
.Ltmp0:
0xc5: {  	s18 =	sadd.s32 $0x100, s18;
	(pc) =	sbr.rel @p0 .LBB2_2-.Ltmp0, $4  }
0xc6: {  	_ = 	snop  }
0xc7: {  	s21 =	sadd.s32 s20, s5  }
0xc8: {  	[hbm4b:s21+s15] =	stream.strided.scatter [tilespmem:s19], [sflag:$0x2], $0x400, s16, s15, $0x38;
	[tilespmem:$0x10100] =	vst v63  }
0xc9: {  	s20 =	sadd.s32 $0x400, s19;
	s21 =	sadd.s32 $0x10, s21;
	s19 =	sadd.s32 $0x800, s19  }
0xca: {  	s17 =	sadd.s32 $0x1, s17  }
0xcb: {  	p0 =	sne.s32 s17, s6  }
.Ltmp1:
0xcc: {  	_ = 	snop;
	(pc) =	sbr.rel @p0 .LBB2_1-.Ltmp1, $4  }
0xcd: {  	[hbm4b:s21+s15] =	stream.strided.scatter [tilespmem:s20], [sflag:$0x2], $0x400, s16, s15, $0x38;
	[tilespmem:$0x10100] =	vst v63  }
0xce: {  	_ =	swait.ge [sflag:s7], $0x10000  }
0xcf: {  	[sflag:s7] =	ssyncset.done $0x0  }
0xd0: {  	[sflag:s7] =	ssyncadd.s32 $0xFFFF0000  }
0xd1: {  	_ =	sfence.sel $0x180000  }
0xd2: {  	[bflag:$0x0] =	sbarrier.arrive $0xFFFF  }
0xd3: {  	_ =	strace $0x90000047  }
0xd4: {  	s0 =	stileid.u32;
	[bflag:$0x2] =	sbarrier.arrive $0xFFFF  }
0xd5: {  	p0 =	sne.s32 s0, $0x0;
	s0 =	rddreg [dreg:$0x3]  }
0xd6: {  	s0 =	sadd.s32 @!p0 $0x100000, s0  }
0xd7: {  	[sflag:s0] =	ssyncadd.tile.s32 @!p0 $0x1;
	_ =	shalt  }
.Lfunc_end2:
_tile_overlayer_lowered:
.L_overlay_start_2:
0xd8: {  	(tag) =	ssettag $0x2  }
0xd9: {  	s0 =	rddreg [dreg:$0x0];
	s2 =	stileid.u32  }
0xda: {  	s1 =	rddreg [dreg:$0x1];
	p0 =	sne.s32 s2, $0x0  }
0xdb: {  	s3 =	rddreg [dreg:$0x2];
	[bflag:$0x3] =	sbarrier.arrive $0xFFFF;
	s2 =	simm.s32 @!p0 $0x1C02  }
0xdc: {  	[timem:s3], [sflag:s2] =	dma.local @!p0 [hbm:s0], s1  }
0xdd: {  	s0 =	simm.s32 @!p0 $0x2  }
0xde: {  	_ =	swait.ge @!p0 [sflag:s0], s1  }
0xdf: {  	s1 =	ssub.s32 @!p0 $0x0, s1;
	[sflag:s0] =	ssyncset.done @!p0 $0x0  }
0xe0: {  	[sflag:s0] =	ssyncadd.s32 @!p0 s1  }
0xe1: {  	[bflag:$0x3] =	sbarrier.arrive $0xFFFF  }
0xe2: {  	_ =	shalt  }

</sc_bundles>
